<compile_context>
chip_gen: v7x
topology: tpu7x:2x2x1
jax: 0.10.2.dev20260603
libtpu: 0.0.44.dev20260713+nightly
codegen_flags: <defaults>
</compile_context>

<pallas_src>
import functools
import math

import jax
import jax.numpy as jnp
from jax import lax
from jax.experimental import pallas as pl
from jax.experimental.pallas import tpu as pltpu
from jax.experimental.pallas import tpu_sc as plsc

N = 2
A = 3
H = 200
W = 336
HW = H * W
NUM_ANCHORS = A * HW
PRE_NMS = 2000
POST_NMS = 1000
NMS_THRESH = 0.7
BBOX_XFORM_CLIP = math.log(1000.0 / 16.0)
IMG_W = 1344.0
IMG_H = 800.0
NEG_INF = float("-inf")

NS = 16
CHUNK = NUM_ANCHORS // NS
CHUNK_PAD = 12608
CAP = 192
CAND = NS * CAP
CROWS = CAND // 128



def _sc_topk_body(scores_hbm, out_sc, out_idx, out_v,
                  chunk_v, cntw_v, cnts_sh, cntbuf_v, csc_v, cidx_v, vbuf_v):
    c = lax.axis_index("c")
    s = lax.axis_index("s")
    chunk_v[pl.ds(CHUNK_PAD - 16, 16)] = jnp.zeros((16,), jnp.float32)
    pltpu.sync_copy(
        scores_hbm.at[pl.ds(c * NUM_ANCHORS + s * CHUNK, CHUNK)],
        chunk_v.at[pl.ds(0, CHUNK)])

    nvecs = CHUNK_PAD // 16

    def bis_round(_, lohi):
        lo, hi = lohi
        mid = (lo + hi) * 0.5
        midv = jnp.full((16,), mid, jnp.float32)

        def cnt_body(k, acc):
            x = chunk_v[pl.ds(k * 16, 16)]
            return acc + jnp.where(x > midv, 1.0, 0.0).astype(jnp.float32)

        acc = lax.fori_loop(0, nvecs, cnt_body, jnp.zeros((16,), jnp.float32))
        local = jnp.sum(acc)
        cntw_v[...] = jnp.full((16,), local, jnp.float32)
        pltpu.sync_copy(cntw_v, cnts_sh.at[pl.ds(s * 16, 16)])
        plsc.subcore_barrier()
        pltpu.sync_copy(cnts_sh, cntbuf_v)

        def sum_body(r, acc2):
            return acc2 + cntbuf_v[pl.ds(r * 16, 16)]

        acc2 = lax.fori_loop(0, NS, sum_body, jnp.zeros((16,), jnp.float32))
        total = jnp.max(acc2)
        plsc.subcore_barrier()
        ok = total >= float(PRE_NMS)
        return (jnp.where(ok, mid, lo), jnp.where(ok, hi, mid))

    lo0 = jnp.float32(-1.0)
    hi0 = jnp.float32(1.0)
    _, v = lax.fori_loop(0, 36, bis_round, (lo0, hi0))
    vf_v = jnp.full((16,), v, jnp.float32)

    def pad_body(i, _):
        csc_v[pl.ds(i * 16, 16)] = jnp.full((16,), NEG_INF, jnp.float32)
        cidx_v[pl.ds(i * 16, 16)] = jnp.zeros((16,), jnp.int32)
        return 0

    lax.fori_loop(0, CAP // 16, pad_body, 0)

    lane = jnp.arange(16, dtype=jnp.int32)
    base = s * CHUNK

    def compact_body(k, w):
        x = chunk_v[pl.ds(k * 16, 16)]
        msk = x >= vf_v
        cnt = jnp.max(plsc.all_reduce_population_count(msk))

        @pl.when((cnt > 0) & (w <= CAP - 16))
        def _():
            plsc.store_compressed(csc_v.at[pl.ds(w, 16)], x, mask=msk)
            iv = lane + (base + k * 16)
            plsc.store_compressed(cidx_v.at[pl.ds(w, 16)], iv, mask=msk)

        return w + cnt

    lax.fori_loop(0, nvecs, compact_body, jnp.int32(0))

    row = (c * NS + s) * CAP
    pltpu.sync_copy(csc_v, out_sc.at[pl.ds(row, CAP)])
    pltpu.sync_copy(cidx_v, out_idx.at[pl.ds(row, CAP)])

    @pl.when(s == 0)
    def _():
        vbuf_v[...] = vf_v
        pltpu.sync_copy(vbuf_v, out_v.at[pl.ds(c * 16, 16)])


@jax.jit
def _sc_topk(scores):
    mesh = plsc.VectorSubcoreMesh(core_axis_name="c", subcore_axis_name="s")
    fn = functools.partial(
        pl.kernel,
        out_type=[
            jax.ShapeDtypeStruct((N * NS * CAP,), jnp.float32),
            jax.ShapeDtypeStruct((N * NS * CAP,), jnp.int32),
            jax.ShapeDtypeStruct((N * 16,), jnp.float32),
        ],
        mesh=mesh,
        compiler_params=pltpu.CompilerParams(needs_layout_passes=False),
        scratch_types=[
            pltpu.VMEM((CHUNK_PAD,), jnp.float32),
            pltpu.VMEM((16,), jnp.float32),
            pltpu.VMEM_SHARED((NS * 16,), jnp.float32),
            pltpu.VMEM((NS * 16,), jnp.float32),
            pltpu.VMEM((CAP,), jnp.float32),
            pltpu.VMEM((CAP,), jnp.int32),
            pltpu.VMEM((16,), jnp.float32),
        ],
    )(_sc_topk_body)
    return fn(scores)



def _decode_nms_body(scores_ref, refidx_ref, v_ref, breg_ref, anch_ref, out_ref):
    sc0 = scores_ref[...]
    refidx = refidx_ref[...]
    v = jnp.max(v_ref[...], axis=1, keepdims=True)[:, :, None]
    dx = breg_ref[:, 0]
    dy = breg_ref[:, 1]
    dw = jnp.minimum(breg_ref[:, 2], BBOX_XFORM_CLIP)
    dh = jnp.minimum(breg_ref[:, 3], BBOX_XFORM_CLIP)
    ax1 = anch_ref[:, 0]
    ay1 = anch_ref[:, 1]
    ax2 = anch_ref[:, 2]
    ay2 = anch_ref[:, 3]

    widths = ax2 - ax1 + 1.0
    heights = ay2 - ay1 + 1.0
    ctr_x = ax1 + 0.5 * widths
    ctr_y = ay1 + 0.5 * heights
    pcx = dx * widths + ctr_x
    pcy = dy * heights + ctr_y
    pw = jnp.exp(dw) * widths
    ph = jnp.exp(dh) * heights
    x1 = jnp.clip(pcx - 0.5 * pw, 0.0, IMG_W - 1.0)
    y1 = jnp.clip(pcy - 0.5 * ph, 0.0, IMG_H - 1.0)
    x2 = jnp.clip(pcx + 0.5 * pw - 1.0, 0.0, IMG_W - 1.0)
    y2 = jnp.clip(pcy + 0.5 * ph - 1.0, 0.0, IMG_H - 1.0)

    ws = x2 - x1 + 1.0
    hs = y2 - y1 + 1.0
    area = ws * hs
    keep = (ws >= 0.0) & (hs >= 0.0)

    opos = (lax.broadcasted_iota(jnp.int32, (N, 8, 128), 1) * 128
            + lax.broadcasted_iota(jnp.int32, (N, 8, 128), 2))
    BIG = jnp.int32(1 << 30)

    cnt_gt = jnp.sum(jnp.where(sc0 > v, 1, 0).astype(jnp.int32),
                     axis=(1, 2), keepdims=True)
    need = PRE_NMS - cnt_gt
    tie = sc0 == v

    def bis_body(_, lohi):
        lo, hi = lohi
        mid = (lo + hi) // 2
        cx = jnp.sum(jnp.where(tie & (refidx <= mid), 1, 0).astype(jnp.int32),
                     axis=(1, 2), keepdims=True)
        ok = cx >= need
        return (jnp.where(ok, lo, mid), jnp.where(ok, mid, hi))

    lo0 = jnp.full((N, 1, 1), -1, jnp.int32)
    hi0 = jnp.full((N, 1, 1), NUM_ANCHORS - 1, jnp.int32)
    _, t = lax.fori_loop(0, 20, bis_body, (lo0, hi0))
    member = (sc0 > v) | (tie & (refidx <= t))

    sc_init = jnp.where(member & keep, sc0, NEG_INF)
    zero_o = jnp.zeros((N, 8, 128), jnp.float32)

    def body(i, carry):
        sc, o0, o1, o2, o3, o4 = carry
        m = jnp.max(sc, axis=(1, 2), keepdims=True)
        valid = m > -1e30
        eqm = sc == m
        idx = jnp.min(jnp.where(eqm, refidx, BIG), axis=(1, 2), keepdims=True)
        pick = eqm & (refidx == idx)
        bx1 = jnp.sum(jnp.where(pick, x1, 0.0), axis=(1, 2), keepdims=True)
        by1 = jnp.sum(jnp.where(pick, y1, 0.0), axis=(1, 2), keepdims=True)
        bx2 = jnp.sum(jnp.where(pick, x2, 0.0), axis=(1, 2), keepdims=True)
        by2 = jnp.sum(jnp.where(pick, y2, 0.0), axis=(1, 2), keepdims=True)
        ba = jnp.sum(jnp.where(pick, area, 0.0), axis=(1, 2), keepdims=True)
        xx1 = jnp.maximum(bx1, x1)
        yy1 = jnp.maximum(by1, y1)
        xx2 = jnp.minimum(bx2, x2)
        yy2 = jnp.minimum(by2, y2)
        iw = jnp.maximum(xx2 - xx1 + 1.0, 0.0)
        ih = jnp.maximum(yy2 - yy1 + 1.0, 0.0)
        inter = iw * ih
        iou = inter / (ba + area - inter)
        supp = iou > NMS_THRESH
        sc = jnp.where(valid & (supp | pick), NEG_INF, sc)
        oh = valid & (opos == i)
        o0 = o0 + jnp.where(oh, bx1, 0.0)
        o1 = o1 + jnp.where(oh, by1, 0.0)
        o2 = o2 + jnp.where(oh, bx2, 0.0)
        o3 = o3 + jnp.where(oh, by2, 0.0)
        o4 = o4 + jnp.where(oh, m, 0.0)
        return (sc, o0, o1, o2, o3, o4)

    carry = (sc_init, zero_o, zero_o, zero_o, zero_o, zero_o)
    _, o0, o1, o2, o3, o4 = lax.fori_loop(0, POST_NMS, body, carry)
    out_ref[:, 0] = o0
    out_ref[:, 1] = o1
    out_ref[:, 2] = o2
    out_ref[:, 3] = o3
    out_ref[:, 4] = o4


def _decode_nms(scores_p, refidx_p, v, breg_p, anch_p, interpret=False):
    return pl.pallas_call(
        _decode_nms_body,
        out_shape=jax.ShapeDtypeStruct((N, 5, 8, 128), jnp.float32),
        interpret=interpret,
    )(scores_p, refidx_p, v, breg_p, anch_p)


def _postprocess(cscore, jidx, v, box_regression, anchors, interpret=False):
    a = jidx // HW
    hw = jidx - a * HW
    refidx = hw * A + a

    breg_flat = box_regression.reshape(N, 4 * NUM_ANCHORS)
    base = (a * 4) * HW + hw
    idx4 = base[:, :, None] + (jnp.arange(4, dtype=jidx.dtype) * HW)[None, None, :]
    breg_k = jnp.take_along_axis(breg_flat, idx4.reshape(N, CAND * 4), axis=1)
    breg_k = breg_k.reshape(N, CAND, 4)
    anch_k = jnp.take_along_axis(anchors, refidx[:, :, None], axis=1)

    scores_p = cscore.reshape(N, CROWS, 128)
    refidx_p = refidx.astype(jnp.int32).reshape(N, CROWS, 128)
    breg_p = breg_k.transpose(0, 2, 1).reshape(N, 4, CROWS, 128)
    anch_p = anch_k.transpose(0, 2, 1).reshape(N, 4, CROWS, 128)

    out = _decode_nms(scores_p, refidx_p, v, breg_p, anch_p, interpret=interpret)
    return out.reshape(N, 5, 1024)[:, :, :POST_NMS].transpose(0, 2, 1)


def kernel(objectness, box_regression, anchors):
    scores_raw = jax.nn.sigmoid(objectness.reshape(N * NUM_ANCHORS))
    csc, cidx, v = _sc_topk(scores_raw)
    return _postprocess(csc.reshape(N, CAND), cidx.reshape(N, CAND),
                        v.reshape(N, 16), box_regression, anchors)

# --- scband reference (transcript-rebuilt; emitter-appended) ---
"""Pipeline reference for scband-rpnpost-processor-63479616635111 (READ-ONLY COPY).

The authoritative reference and input builder live on the scoring server;
editing this copy changes nothing except your own understanding.
"""

import jax, jax.numpy as jnp
import numpy as np
import math
from jax import lax

N = 2; A = 3; H = 200; W = 336; STRIDE = 4
IMG_W = 1344; IMG_H = 800
PRE_NMS = 2000; POST_NMS = 1000; NMS_THRESH = 0.7; MIN_SIZE = 0.0
BBOX_XFORM_CLIP = math.log(1000.0 / 16.0)


def setup_inputs(seed: int = 0) -> dict:
    key = jax.random.key(seed)
    k1, k2 = jax.random.split(key)
    objectness = jax.random.normal(k1, (N, A, H, W), dtype=jnp.float32)
    box_regression = jax.random.normal(k2, (N, A * 4, H, W), dtype=jnp.float32) * 0.5
    # Grid anchors (standard RPN anchor generator: size 32, ratios 0.5/1/2, stride 4).
    # Layout matches permute_and_flatten: index = (h*W + w)*A + a.
    size = 32.0
    ratios = np.array([0.5, 1.0, 2.0])
    ws = size / np.sqrt(ratios)
    hs = size * np.sqrt(ratios)
    base = np.stack([-(ws - 1) / 2.0, -(hs - 1) / 2.0, (ws - 1) / 2.0, (hs - 1) / 2.0], axis=1)
    sx = np.arange(W) * STRIDE
    sy = np.arange(H) * STRIDE
    yy, xx = np.meshgrid(sy, sx, indexing='ij')
    shifts = np.stack([xx.ravel(), yy.ravel(), xx.ravel(), yy.ravel()], axis=1).astype(np.float32)
    anch = (shifts[:, None, :] + base[None, :, :]).reshape(-1, 4).astype(np.float32)
    anchors = jnp.asarray(np.broadcast_to(anch[None], (N, anch.shape[0], 4)).copy())
    return {"objectness": objectness, "box_regression": box_regression, "anchors": anchors}


def _decode(rel, anch):
    # BoxCoder(weights=(1,1,1,1)).decode, maskrcnn-benchmark convention (TO_REMOVE=1)
    widths = anch[..., 2] - anch[..., 0] + 1.0
    heights = anch[..., 3] - anch[..., 1] + 1.0
    ctr_x = anch[..., 0] + 0.5 * widths
    ctr_y = anch[..., 1] + 0.5 * heights
    dx = rel[..., 0]
    dy = rel[..., 1]
    dw = jnp.minimum(rel[..., 2], BBOX_XFORM_CLIP)
    dh = jnp.minimum(rel[..., 3], BBOX_XFORM_CLIP)
    pcx = dx * widths + ctr_x
    pcy = dy * heights + ctr_y
    pw = jnp.exp(dw) * widths
    ph = jnp.exp(dh) * heights
    x1 = pcx - 0.5 * pw
    y1 = pcy - 0.5 * ph
    x2 = pcx + 0.5 * pw - 1.0
    y2 = pcy + 0.5 * ph - 1.0
    return jnp.stack([x1, y1, x2, y2], axis=-1)


def _nms_single(boxes, scores):
    # Greedy NMS over PRE_NMS boxes, keeping up to POST_NMS, score-ordered.
    areas = (boxes[:, 2] - boxes[:, 0] + 1.0) * (boxes[:, 3] - boxes[:, 1] + 1.0)

    def body(i, state):
        sc, keep = state
        idx = jnp.argmax(sc)
        valid = sc[idx] > -1e30
        b = boxes[idx]
        xx1 = jnp.maximum(b[0], boxes[:, 0])
        yy1 = jnp.maximum(b[1], boxes[:, 1])
        xx2 = jnp.minimum(b[2], boxes[:, 2])
        yy2 = jnp.minimum(b[3], boxes[:, 3])
        w = jnp.maximum(xx2 - xx1 + 1.0, 0.0)
        h = jnp.maximum(yy2 - yy1 + 1.0, 0.0)
        inter = w * h
        iou = inter / (areas[idx] + areas - inter)
        suppress = iou > NMS_THRESH
        sc_next = jnp.where(suppress, -jnp.inf, sc)
        sc_next = sc_next.at[idx].set(-jnp.inf)
        sc_next = jnp.where(valid, sc_next, sc)
        keep = keep.at[i].set(jnp.where(valid, idx.astype(jnp.int32), -1))
        return (sc_next, keep)

    keep0 = jnp.full((POST_NMS,), -1, dtype=jnp.int32)
    _, keep = lax.fori_loop(0, POST_NMS, body, (scores, keep0))
    return keep


def _forward(objectness, box_regression, anchors):
    # permute_and_flatten(objectness, N, A, 1, H, W).view(N, -1)
    obj = objectness.reshape(N, A, 1, H, W).transpose(0, 3, 4, 1, 2).reshape(N, -1)
    obj = jax.nn.sigmoid(obj)
    breg = box_regression.reshape(N, A, 4, H, W).transpose(0, 3, 4, 1, 2).reshape(N, -1, 4)
    scores, topk_idx = lax.top_k(obj, PRE_NMS)
    breg_k = jnp.take_along_axis(breg, topk_idx[:, :, None], axis=1)
    anch_k = jnp.take_along_axis(anchors, topk_idx[:, :, None], axis=1)
    props = _decode(breg_k, anch_k)
    # clip_to_image(remove_empty=False)
    x1 = jnp.clip(props[..., 0], 0.0, IMG_W - 1.0)
    y1 = jnp.clip(props[..., 1], 0.0, IMG_H - 1.0)
    x2 = jnp.clip(props[..., 2], 0.0, IMG_W - 1.0)
    y2 = jnp.clip(props[..., 3], 0.0, IMG_H - 1.0)
    props = jnp.stack([x1, y1, x2, y2], axis=-1)
    # remove_small_boxes (as score masking to keep shapes static)
    ws = x2 - x1 + 1.0
    hs = y2 - y1 + 1.0
    keep_mask = (ws >= MIN_SIZE) & (hs >= MIN_SIZE)
    masked = jnp.where(keep_mask, scores, -jnp.inf)
    keep = jax.vmap(_nms_single)(props, masked)
    valid = keep >= 0
    idx_safe = jnp.maximum(keep, 0)
    boxes_out = jnp.take_along_axis(props, idx_safe[:, :, None], axis=1)
    scores_out = jnp.take_along_axis(scores, idx_safe, axis=1)
    boxes_out = jnp.where(valid[:, :, None], boxes_out, 0.0)
    scores_out = jnp.where(valid, scores_out, 0.0)
    return jnp.concatenate([boxes_out, scores_out[:, :, None]], axis=-1)


def reference(objectness, box_regression, anchors):
    return _forward(objectness, box_regression, anchors)

if __name__ == "__main__":
    import jax
    _d = setup_inputs()
    print(jax.jit(kernel)(*tuple(_d.values())))

</pallas_src>

<mosaic_0001>
#map = affine_map<(d0, d1) -> (0)>
module attributes {stable_mosaic.version = 14 : i64} {
  func.func @_sc_topk_body(%arg0: i32, %arg1: i32, %arg2: memref<403200xf32, #tpu.memory_space<hbm>>, %arg3: memref<6144xf32, #tpu.memory_space<hbm>>, %arg4: memref<6144xi32, #tpu.memory_space<hbm>>, %arg5: memref<32xf32, #tpu.memory_space<hbm>>, %arg6: memref<12608xf32, #tpu.memory_space<vmem>>, %arg7: memref<16xf32, #tpu.memory_space<vmem>>, %arg8: memref<256xf32, #tpu.memory_space<vmem_shared>>, %arg9: memref<256xf32, #tpu.memory_space<vmem>>, %arg10: memref<192xf32, #tpu.memory_space<vmem>>, %arg11: memref<192xi32, #tpu.memory_space<vmem>>, %arg12: memref<16xf32, #tpu.memory_space<vmem>>) attributes {dimension_semantics = [#tpu.dimension_semantics<core_parallel>, #tpu.dimension_semantics<subcore_parallel>], iteration_bounds = array<i64: 2, 16>, scalar_prefetch = 0 : i64, scratch_operands = 7 : i64, tpu.core_type = #tpu.core_type<sc_vector_subcore>, window_params = [{transform_indices = #map}, {transform_indices = #map}, {transform_indices = #map}, {transform_indices = #map}]} {
    %broadcast_in_dim3A = arith.constant 0.000000e+00 : f32
    %broadcast_in_dim3A_0 = vector.broadcast %broadcast_in_dim3A : f32 to vector<16xf32>
    %swap3A = arith.constant 12592 : index
    %swap3A_1 = tpu.vector_load %arg6[%swap3A] {strides = array<i32>} : memref<12608xf32, #tpu.memory_space<vmem>>, vector<16xf32>,
    tpu.vector_store %arg6[%swap3A], %broadcast_in_dim3A_0 {strides = array<i32>} : memref<12608xf32, #tpu.memory_space<vmem>>, vector<16xf32>,
    %mul3A = arith.constant 201600 : i32
    %mul3A_2 = arith.muli %arg0, %mul3A : i32
    %mul3A_3 = arith.constant 12600 : i32
    %mul3A_4 = arith.muli %arg1, %mul3A_3 : i32
    %add3A = arith.addi %mul3A_2, %mul3A_4 : i32
    "tpu.region"() ({
      %run_scoped3A = tpu.sem_alloc : memref<!tpu.dma_semaphore, #tpu.memory_space<semaphore_mem>>
      %dma_start3A = arith.constant 0 : i32
      %dma_start3A_36 = tpu.memref_slice %arg6[%dma_start3A] : memref<12608xf32, #tpu.memory_space<vmem>> -> memref<12600xf32, #tpu.memory_space<vmem>>
      %dma_start3A_37 = tpu.memref_slice %arg2[%add3A] : memref<403200xf32, #tpu.memory_space<hbm>> -> memref<12600xf32, #tpu.memory_space<hbm>>
      %dma_start3A_38 = arith.constant 0 : i32
      %dma_start3A_39 = tpu.memref_slice %arg6[%dma_start3A_38] : memref<12608xf32, #tpu.memory_space<vmem>> -> memref<12600xf32, #tpu.memory_space<vmem>>
      %dma_start3A_40 = tpu.memref_slice %arg2[%add3A] : memref<403200xf32, #tpu.memory_space<hbm>> -> memref<12600xf32, #tpu.memory_space<hbm>>
      tpu.enqueue_dma source(%dma_start3A_40 : memref<12600xf32, #tpu.memory_space<hbm>>) target(%dma_start3A_39 : memref<12600xf32, #tpu.memory_space<vmem>>) target_semaphore(%run_scoped3A : memref<!tpu.dma_semaphore, #tpu.memory_space<semaphore_mem>>)
      %dma_wait3A = arith.constant 0 : i32
      %dma_wait3A_41 = tpu.memref_slice %arg6[%dma_wait3A] : memref<12608xf32, #tpu.memory_space<vmem>> -> memref<12600xf32, #tpu.memory_space<vmem>>
      %dma_wait3A_42 = tpu.memref_slice %arg2[%add3A] : memref<403200xf32, #tpu.memory_space<hbm>> -> memref<12600xf32, #tpu.memory_space<hbm>>
      %dma_wait3A_43 = arith.constant 0 : i32
      %dma_wait3A_44 = tpu.memref_slice %arg6[%dma_wait3A_43] : memref<12608xf32, #tpu.memory_space<vmem>> -> memref<12600xf32, #tpu.memory_space<vmem>>
      %dma_wait3A_45 = tpu.memref_slice %arg2[%add3A] : memref<403200xf32, #tpu.memory_space<hbm>> -> memref<12600xf32, #tpu.memory_space<hbm>>
      tpu.wait_dma2 semaphore(%run_scoped3A : memref<!tpu.dma_semaphore, #tpu.memory_space<semaphore_mem>>) src(%dma_wait3A_45 : memref<12600xf32, #tpu.memory_space<hbm>>) dst(%dma_wait3A_44 : memref<12600xf32, #tpu.memory_space<vmem>>)
      tpu.yield
    }) : () -> ()
    %scan3A = arith.constant -1.000000e+00 : f32
    %scan3A_5 = arith.constant 1.000000e+00 : f32
    %scan3A_6 = arith.constant 0 : i32
    %scan3A_7 = arith.constant 36 : i32
    %scan3A_8 = arith.addi %scan3A_6, %scan3A_7 : i32
    %scan3A_9 = arith.constant 1 : i32
    %scan3A_10:2 = scf.for %scan3A_36 = %scan3A_6 to %scan3A_8 step %scan3A_9 iter_args(%scan3A_37 = %scan3A, %scan3A_38 = %scan3A_5) -> (f32, f32)  : i32 {
      %add3A_39 = arith.addf %scan3A_37, %scan3A_38 : f32
      %mul3A_40 = arith.constant 5.000000e-01 : f32
      %mul3A_41 = arith.mulf %add3A_39, %mul3A_40 : f32
      %broadcast_in_dim3A_42 = vector.broadcast %mul3A_41 : f32 to vector<16xf32>
      %broadcast_in_dim3A_43 = arith.constant 0.000000e+00 : f32
      %broadcast_in_dim3A_44 = vector.broadcast %broadcast_in_dim3A_43 : f32 to vector<16xf32>
      %scan3A_45 = arith.constant 0 : i32
      %scan3A_46 = arith.constant 788 : i32
      %scan3A_47 = arith.addi %scan3A_45, %scan3A_46 : i32
      %scan3A_48 = arith.constant 1 : i32
      %scan3A_49 = scf.for %scan3A_73 = %scan3A_45 to %scan3A_47 step %scan3A_48 iter_args(%scan3A_74 = %broadcast_in_dim3A_44) -> (vector<16xf32>)  : i32 {
        %mul3A_75 = arith.constant 16 : i32
        %mul3A_76 = arith.muli %scan3A_73, %mul3A_75 : i32
        %get3A = arith.index_cast %mul3A_76 : i32 to index
        %get3A_77 = tpu.vector_load %arg6[%get3A] {strides = array<i32>} : memref<12608xf32, #tpu.memory_space<vmem>>, vector<16xf32>,
        %gt3A = arith.cmpf ogt, %get3A_77, %broadcast_in_dim3A_42 : vector<16xf32>
        %jit3A = arith.constant 1.000000e+00 : f32
        %jit3A_78 = arith.constant 0.000000e+00 : f32
        %broadcast_in_dim3A_79 = vector.broadcast %jit3A : f32 to vector<16xf32>
        %broadcast_in_dim3A_80 = vector.broadcast %jit3A_78 : f32 to vector<16xf32>
        %select_n3A_81 = arith.select %gt3A, %broadcast_in_dim3A_79, %broadcast_in_dim3A_80 : vector<16xi1>, vector<16xf32>
        %add3A_82 = arith.addf %scan3A_74, %select_n3A_81 : vector<16xf32>
        scf.yield %add3A_82 : vector<16xf32>
      }
      %scan3A_50 = arith.constant 788 : i32
      %reduce_sum3A = arith.constant true
      %reduce_sum3A_51 = vector.broadcast %reduce_sum3A : i1 to vector<16xi1>
      %reduce_sum3A_52 = tpu.scan <sum>, %scan3A_49 masked %reduce_sum3A_51 : vector<16xf32>, vector<16xi1> -> vector<16xf32>
      %reduce_sum3A_53 = vector.extract %reduce_sum3A_52[15] : f32 from vector<16xf32>
      %broadcast_in_dim3A_54 = vector.broadcast %reduce_sum3A_53 : f32 to vector<16xf32>
      %swap3A_55 = arith.constant 0 : index
      %swap3A_56 = tpu.vector_load %arg7[%swap3A_55] {strides = array<i32>} : memref<16xf32, #tpu.memory_space<vmem>>, vector<16xf32>,
      tpu.vector_store %arg7[%swap3A_55], %broadcast_in_dim3A_54 {strides = array<i32>} : memref<16xf32, #tpu.memory_space<vmem>>, vector<16xf32>,
      %mul3A_57 = arith.constant 16 : i32
      %mul3A_58 = arith.muli %arg1, %mul3A_57 : i32
      "tpu.region"() ({
        %run_scoped3A = tpu.sem_alloc : memref<!tpu.dma_semaphore, #tpu.memory_space<semaphore_mem>>
        %dma_start3A = tpu.memref_slice %arg8[%mul3A_58] : memref<256xf32, #tpu.memory_space<vmem_shared>> -> memref<16xf32, #tpu.memory_space<vmem_shared>>
        %dma_start3A_73 = tpu.memref_slice %arg8[%mul3A_58] : memref<256xf32, #tpu.memory_space<vmem_shared>> -> memref<16xf32, #tpu.memory_space<vmem_shared>>
        tpu.enqueue_dma source(%arg7 : memref<16xf32, #tpu.memory_space<vmem>>) target(%dma_start3A_73 : memref<16xf32, #tpu.memory_space<vmem_shared>>) target_semaphore(%run_scoped3A : memref<!tpu.dma_semaphore, #tpu.memory_space<semaphore_mem>>)
        %dma_wait3A = tpu.memref_slice %arg8[%mul3A_58] : memref<256xf32, #tpu.memory_space<vmem_shared>> -> memref<16xf32, #tpu.memory_space<vmem_shared>>
        %dma_wait3A_74 = tpu.memref_slice %arg8[%mul3A_58] : memref<256xf32, #tpu.memory_space<vmem_shared>> -> memref<16xf32, #tpu.memory_space<vmem_shared>>
        tpu.wait_dma2 semaphore(%run_scoped3A : memref<!tpu.dma_semaphore, #tpu.memory_space<semaphore_mem>>) src(%arg7 : memref<16xf32, #tpu.memory_space<vmem>>) dst(%dma_wait3A_74 : memref<16xf32, #tpu.memory_space<vmem_shared>>)
        tpu.yield
      }) : () -> ()
      %barrier3A = arith.constant 0 : index
      tpu.barrier barrier_id(%barrier3A)
      "tpu.region"() ({
        %run_scoped3A = tpu.sem_alloc : memref<!tpu.dma_semaphore, #tpu.memory_space<semaphore_mem>>
        tpu.enqueue_dma source(%arg8 : memref<256xf32, #tpu.memory_space<vmem_shared>>) target(%arg9 : memref<256xf32, #tpu.memory_space<vmem>>) target_semaphore(%run_scoped3A : memref<!tpu.dma_semaphore, #tpu.memory_space<semaphore_mem>>)
        tpu.wait_dma2 semaphore(%run_scoped3A : memref<!tpu.dma_semaphore, #tpu.memory_space<semaphore_mem>>) src(%arg8 : memref<256xf32, #tpu.memory_space<vmem_shared>>) dst(%arg9 : memref<256xf32, #tpu.memory_space<vmem>>)
        tpu.yield
      }) : () -> ()
      %broadcast_in_dim3A_59 = arith.constant 0.000000e+00 : f32
      %broadcast_in_dim3A_60 = vector.broadcast %broadcast_in_dim3A_59 : f32 to vector<16xf32>
      %scan3A_61 = arith.constant 0 : i32
      %scan3A_62 = arith.constant 16 : i32
      %scan3A_63 = arith.addi %scan3A_61, %scan3A_62 : i32
      %scan3A_64 = arith.constant 1 : i32
      %scan3A_65 = scf.for %scan3A_73 = %scan3A_61 to %scan3A_63 step %scan3A_64 iter_args(%scan3A_74 = %broadcast_in_dim3A_60) -> (vector<16xf32>)  : i32 {
        %mul3A_75 = arith.constant 16 : i32
        %mul3A_76 = arith.muli %scan3A_73, %mul3A_75 : i32
        %get3A = arith.index_cast %mul3A_76 : i32 to index
        %get3A_77 = tpu.vector_load %arg9[%get3A] {strides = array<i32>} : memref<256xf32, #tpu.memory_space<vmem>>, vector<16xf32>,
        %add3A_78 = arith.addf %scan3A_74, %get3A_77 : vector<16xf32>
        scf.yield %add3A_78 : vector<16xf32>
      }
      %scan3A_66 = arith.constant 16 : i32
      %reduce_max3A = arith.constant true
      %reduce_max3A_67 = vector.broadcast %reduce_max3A : i1 to vector<16xi1>
      %reduce_max3A_68 = tpu.scan <max>, %scan3A_65 masked %reduce_max3A_67 : vector<16xf32>, vector<16xi1> -> vector<16xf32>
      %reduce_max3A_69 = vector.extract %reduce_max3A_68[15] : f32 from vector<16xf32>
      %barrier3A_70 = arith.constant 0 : index
      tpu.barrier barrier_id(%barrier3A_70)
      %ge3A = arith.constant 2.000000e+03 : f32
      %ge3A_71 = arith.cmpf oge, %reduce_max3A_69, %ge3A : f32
      %select_n3A = arith.select %ge3A_71, %mul3A_41, %scan3A_37 : f32
      %select_n3A_72 = arith.select %ge3A_71, %scan3A_38, %mul3A_41 : f32
      scf.yield %select_n3A, %select_n3A_72 : f32, f32
    }
    %scan3A_11 = arith.constant 36 : i32
    %broadcast_in_dim3A_12 = vector.broadcast %scan3A_10#1 : f32 to vector<16xf32>
    %scan3A_13 = arith.constant 0 : i32
    %scan3A_14 = arith.constant 0 : i32
    %scan3A_15 = arith.constant 12 : i32
    %scan3A_16 = arith.addi %scan3A_14, %scan3A_15 : i32
    %scan3A_17 = arith.constant 1 : i32
    %scan3A_18 = scf.for %scan3A_36 = %scan3A_14 to %scan3A_16 step %scan3A_17 iter_args(%scan3A_37 = %scan3A_13) -> (i32)  : i32 {
      %broadcast_in_dim3A_38 = arith.constant 0xFF800000 : f32
      %broadcast_in_dim3A_39 = vector.broadcast %broadcast_in_dim3A_38 : f32 to vector<16xf32>
      %mul3A_40 = arith.constant 16 : i32
      %mul3A_41 = arith.muli %scan3A_36, %mul3A_40 : i32
      %swap3A_42 = arith.index_cast %mul3A_41 : i32 to index
      %swap3A_43 = tpu.vector_load %arg10[%swap3A_42] {strides = array<i32>} : memref<192xf32, #tpu.memory_space<vmem>>, vector<16xf32>,
      tpu.vector_store %arg10[%swap3A_42], %broadcast_in_dim3A_39 {strides = array<i32>} : memref<192xf32, #tpu.memory_space<vmem>>, vector<16xf32>,
      %broadcast_in_dim3A_44 = arith.constant 0 : i32
      %broadcast_in_dim3A_45 = vector.broadcast %broadcast_in_dim3A_44 : i32 to vector<16xi32>
      %mul3A_46 = arith.constant 16 : i32
      %mul3A_47 = arith.muli %scan3A_36, %mul3A_46 : i32
      %swap3A_48 = arith.index_cast %mul3A_47 : i32 to index
      %swap3A_49 = tpu.vector_load %arg11[%swap3A_48] {strides = array<i32>} : memref<192xi32, #tpu.memory_space<vmem>>, vector<16xi32>,
      tpu.vector_store %arg11[%swap3A_48], %broadcast_in_dim3A_45 {strides = array<i32>} : memref<192xi32, #tpu.memory_space<vmem>>, vector<16xi32>,
      %scan3A_50 = arith.constant 0 : i32
      scf.yield %scan3A_50 : i32
    }
    %scan3A_19 = arith.constant 12 : i32
    %iota3A = tpu.iota {dimensions = array<i32: 0>} : vector<16xi32>
    %mul3A_20 = arith.constant 12600 : i32
    %mul3A_21 = arith.muli %arg1, %mul3A_20 : i32
    %scan3A_22 = arith.constant 0 : i32
    %scan3A_23 = arith.constant 0 : i32
    %scan3A_24 = arith.constant 788 : i32
    %scan3A_25 = arith.addi %scan3A_23, %scan3A_24 : i32
    %scan3A_26 = arith.constant 1 : i32
    %scan3A_27 = scf.for %scan3A_36 = %scan3A_23 to %scan3A_25 step %scan3A_26 iter_args(%scan3A_37 = %scan3A_22) -> (i32)  : i32 {
      %mul3A_38 = arith.constant 16 : i32
      %mul3A_39 = arith.muli %scan3A_36, %mul3A_38 : i32
      %get3A = arith.index_cast %mul3A_39 : i32 to index
      %get3A_40 = tpu.vector_load %arg6[%get3A] {strides = array<i32>} : memref<12608xf32, #tpu.memory_space<vmem>>, vector<16xf32>,
      %ge3A = arith.cmpf oge, %get3A_40, %broadcast_in_dim3A_12 : vector<16xf32>
      %all_reduce_population_count3A = tpu.all_reduce %ge3A {dim = 0 : i64, kind = #tpu.reduction_kind<sum>} : vector<16xi1> -> vector<16xi32>
      %reduce_max3A = arith.constant true
      %reduce_max3A_41 = vector.broadcast %reduce_max3A : i1 to vector<16xi1>
      %reduce_max3A_42 = arith.constant -2147483648 : i32
      %reduce_max3A_43 = vector.broadcast %reduce_max3A_42 : i32 to vector<16xi32>
      %reduce_max3A_44 = arith.xori %all_reduce_population_count3A, %reduce_max3A_43 : vector<16xi32>
      %reduce_max3A_45 = tpu.scan <max>, %reduce_max3A_44 masked %reduce_max3A_41 : vector<16xi32>, vector<16xi1> -> vector<16xi32>
      %reduce_max3A_46 = arith.xori %reduce_max3A_45, %reduce_max3A_43 : vector<16xi32>
      %reduce_max3A_47 = vector.extract %reduce_max3A_46[15] : i32 from vector<16xi32>
      %gt3A = arith.constant 0 : i32
      %gt3A_48 = arith.cmpi sgt, %reduce_max3A_47, %gt3A : i32
      %le3A = arith.constant 176 : i32
      %le3A_49 = arith.cmpi sle, %scan3A_37, %le3A : i32
      %and3A = arith.andi %gt3A_48, %le3A_49 : i1
      %convert_element_type3A_50 = arith.extui %and3A : i1 to i32
      %cond3A_51 = arith.constant 0 : i32
      %cond3A_52 = arith.cmpi ne, %convert_element_type3A_50, %cond3A_51 : i32
      scf.if %cond3A_52 {
        %swap3A_54 = arith.index_cast %scan3A_37 : i32 to index
        %swap3A_55 = tpu.vector_load %arg10[%swap3A_54] masked %ge3A {strides = array<i32>} : memref<192xf32, #tpu.memory_space<vmem>>, vector<16xf32>, vector<16xi1>
        tpu.vector_store %arg10[%swap3A_54], %get3A_40 masked %ge3A {strides = array<i32>} : memref<192xf32, #tpu.memory_space<vmem>>, vector<16xf32>, vector<16xi1>
        %mul3A_56 = arith.constant 16 : i32
        %mul3A_57 = arith.muli %scan3A_36, %mul3A_56 : i32
        %add3A_58 = arith.addi %mul3A_21, %mul3A_57 : i32
        %add3A_59 = vector.broadcast %add3A_58 : i32 to vector<16xi32>
        %add3A_60 = arith.addi %iota3A, %add3A_59 : vector<16xi32>
        %swap3A_61 = arith.index_cast %scan3A_37 : i32 to index
        %swap3A_62 = tpu.vector_load %arg11[%swap3A_61] masked %ge3A {strides = array<i32>} : memref<192xi32, #tpu.memory_space<vmem>>, vector<16xi32>, vector<16xi1>
        tpu.vector_store %arg11[%swap3A_61], %add3A_60 masked %ge3A {strides = array<i32>} : memref<192xi32, #tpu.memory_space<vmem>>, vector<16xi32>, vector<16xi1>
      } else {
      }
      %add3A_53 = arith.addi %scan3A_37, %reduce_max3A_47 : i32
      scf.yield %add3A_53 : i32
    }
    %scan3A_28 = arith.constant 788 : i32
    %mul3A_29 = arith.constant 16 : i32
    %mul3A_30 = arith.muli %arg0, %mul3A_29 : i32
    %add3A_31 = arith.addi %mul3A_30, %arg1 : i32
    %mul3A_32 = arith.constant 192 : i32
    %mul3A_33 = arith.muli %add3A_31, %mul3A_32 : i32
    "tpu.region"() ({
      %run_scoped3A = tpu.sem_alloc : memref<!tpu.dma_semaphore, #tpu.memory_space<semaphore_mem>>
      %dma_start3A = tpu.memref_slice %arg3[%mul3A_33] : memref<6144xf32, #tpu.memory_space<hbm>> -> memref<192xf32, #tpu.memory_space<hbm>>
      %dma_start3A_36 = tpu.memref_slice %arg3[%mul3A_33] : memref<6144xf32, #tpu.memory_space<hbm>> -> memref<192xf32, #tpu.memory_space<hbm>>
      tpu.enqueue_dma source(%arg10 : memref<192xf32, #tpu.memory_space<vmem>>) target(%dma_start3A_36 : memref<192xf32, #tpu.memory_space<hbm>>) target_semaphore(%run_scoped3A : memref<!tpu.dma_semaphore, #tpu.memory_space<semaphore_mem>>)
      %dma_wait3A = tpu.memref_slice %arg3[%mul3A_33] : memref<6144xf32, #tpu.memory_space<hbm>> -> memref<192xf32, #tpu.memory_space<hbm>>
      %dma_wait3A_37 = tpu.memref_slice %arg3[%mul3A_33] : memref<6144xf32, #tpu.memory_space<hbm>> -> memref<192xf32, #tpu.memory_space<hbm>>
      tpu.wait_dma2 semaphore(%run_scoped3A : memref<!tpu.dma_semaphore, #tpu.memory_space<semaphore_mem>>) src(%arg10 : memref<192xf32, #tpu.memory_space<vmem>>) dst(%dma_wait3A_37 : memref<192xf32, #tpu.memory_space<hbm>>)
      tpu.yield
    }) : () -> ()
    "tpu.region"() ({
      %run_scoped3A = tpu.sem_alloc : memref<!tpu.dma_semaphore, #tpu.memory_space<semaphore_mem>>
      %dma_start3A = tpu.memref_slice %arg4[%mul3A_33] : memref<6144xi32, #tpu.memory_space<hbm>> -> memref<192xi32, #tpu.memory_space<hbm>>
      %dma_start3A_36 = tpu.memref_slice %arg4[%mul3A_33] : memref<6144xi32, #tpu.memory_space<hbm>> -> memref<192xi32, #tpu.memory_space<hbm>>
      tpu.enqueue_dma source(%arg11 : memref<192xi32, #tpu.memory_space<vmem>>) target(%dma_start3A_36 : memref<192xi32, #tpu.memory_space<hbm>>) target_semaphore(%run_scoped3A : memref<!tpu.dma_semaphore, #tpu.memory_space<semaphore_mem>>)
      %dma_wait3A = tpu.memref_slice %arg4[%mul3A_33] : memref<6144xi32, #tpu.memory_space<hbm>> -> memref<192xi32, #tpu.memory_space<hbm>>
      %dma_wait3A_37 = tpu.memref_slice %arg4[%mul3A_33] : memref<6144xi32, #tpu.memory_space<hbm>> -> memref<192xi32, #tpu.memory_space<hbm>>
      tpu.wait_dma2 semaphore(%run_scoped3A : memref<!tpu.dma_semaphore, #tpu.memory_space<semaphore_mem>>) src(%arg11 : memref<192xi32, #tpu.memory_space<vmem>>) dst(%dma_wait3A_37 : memref<192xi32, #tpu.memory_space<hbm>>)
      tpu.yield
    }) : () -> ()
    %eq3A = arith.constant 0 : i32
    %eq3A_34 = arith.cmpi eq, %arg1, %eq3A : i32
    %convert_element_type3A = arith.extui %eq3A_34 : i1 to i32
    %cond3A = arith.constant 0 : i32
    %cond3A_35 = arith.cmpi ne, %convert_element_type3A, %cond3A : i32
    scf.if %cond3A_35 {
      %swap3A_36 = arith.constant 0 : index
      %swap3A_37 = tpu.vector_load %arg12[%swap3A_36] {strides = array<i32>} : memref<16xf32, #tpu.memory_space<vmem>>, vector<16xf32>,
      tpu.vector_store %arg12[%swap3A_36], %broadcast_in_dim3A_12 {strides = array<i32>} : memref<16xf32, #tpu.memory_space<vmem>>, vector<16xf32>,
      %mul3A_38 = arith.constant 16 : i32
      %mul3A_39 = arith.muli %arg0, %mul3A_38 : i32
      "tpu.region"() ({
        %run_scoped3A = tpu.sem_alloc : memref<!tpu.dma_semaphore, #tpu.memory_space<semaphore_mem>>
        %dma_start3A = tpu.memref_slice %arg5[%mul3A_39] : memref<32xf32, #tpu.memory_space<hbm>> -> memref<16xf32, #tpu.memory_space<hbm>>
        %dma_start3A_40 = tpu.memref_slice %arg5[%mul3A_39] : memref<32xf32, #tpu.memory_space<hbm>> -> memref<16xf32, #tpu.memory_space<hbm>>
        tpu.enqueue_dma source(%arg12 : memref<16xf32, #tpu.memory_space<vmem>>) target(%dma_start3A_40 : memref<16xf32, #tpu.memory_space<hbm>>) target_semaphore(%run_scoped3A : memref<!tpu.dma_semaphore, #tpu.memory_space<semaphore_mem>>)
        %dma_wait3A = tpu.memref_slice %arg5[%mul3A_39] : memref<32xf32, #tpu.memory_space<hbm>> -> memref<16xf32, #tpu.memory_space<hbm>>
        %dma_wait3A_41 = tpu.memref_slice %arg5[%mul3A_39] : memref<32xf32, #tpu.memory_space<hbm>> -> memref<16xf32, #tpu.memory_space<hbm>>
        tpu.wait_dma2 semaphore(%run_scoped3A : memref<!tpu.dma_semaphore, #tpu.memory_space<semaphore_mem>>) src(%arg12 : memref<16xf32, #tpu.memory_space<vmem>>) dst(%dma_wait3A_41 : memref<16xf32, #tpu.memory_space<hbm>>)
        tpu.yield
      }) : () -> ()
    } else {
    }
    return
  }
}

</mosaic_0001>

<sc_bundles>
// kernel: _sc_topk.3.cloned.1.call-start
scs
__scs_entry_jumppad:
0x0: {  	(pc) =	sbr.rel $0x88, $3  }
0x1: {  	(tag) =	ssettag $0x0;
	lr =	simm.s32 $0x1  }
0x2: {  	[smem:$0x3FA0] =	sst lr;
	_ =	strace $0xD0000000  }
0x3: {  	_ = 	snop  }
0x4: {  	_ = 	snop  }
0x5: {  	_ = 	snop  }
0x6: {  	_ = 	snop  }
0x7: {  	_ = 	snop  }
__scs_overlays_trampoline_lowered:
0x8: {  	[smem:$0x3FAF] =	sst s0  }
0x9: {  	[smem:$0x3FB0] =	sst s1  }
0xa: {  	[smem:$0x3FB1] =	sst s2  }
0xb: {  	[smem:$0x3FB2] =	sst s3  }
0xc: {  	[smem:$0x3FB3] =	sst s4  }
0xd: {  	[smem:$0x3FB4] =	sst s5  }
0xe: {  	[smem:$0x3FB5] =	sst s6  }
0xf: {  	[smem:$0x3FB6] =	sst s7  }
0x10: {  	[smem:$0x3FB7] =	sst s8  }
0x11: {  	[smem:$0x3FB8] =	sst s9;
	s0 =	simm.s32 @!p0 $0x0  }
0x12: {  	s1 =	sld [smem:$0x3F9E];
	s0 =	simm.s32 @p0 $0x1  }
0x13: {  	[smem:$0x3FB9] =	sst s0;
	s0 =	simm.s32 @!p1 $0x0  }
0x14: {  	s2 =	sld [smem:$0x3F9D];
	s0 =	simm.s32 @p1 $0x1  }
0x15: {  	[smem:$0x3FBA] =	sst s0;
	s0 =	simm.s32 @!p2 $0x0  }
0x16: {  	s3 =	sld [smem:$0x3FDB];
	s0 =	simm.s32 @p2 $0x1  }
0x17: {  	s4 =	simm.s32 $0x1BF5;
	[smem:$0x3FBC] =	sst s0  }
0x18: {  	s0 =	sld [smem:$0x3F9F];
	_ =	swait.ge [sflag:s4], $0x0  }
0x19: {  	s7 =	sld [smem:$0x3FA0]  }
0x1a: {  	s8 =	sadd.s32 $0xFFFFE003, lr  }
0x1b: {  	s9 =	sadd.s32 $0xFFFFFEF7, lr;
	s5 =	simm.s32 $0xFFFFFFFF;
	p2 =	slt.u32 s8, $0xFFFFF086  }
0x1c: {  	p1 =	slt.u32 s9, $0xF7A;
	s5 =	simm.s32 @!p2 $0x0  }
0x1d: {  	s5 =	simm.s32 @p1 $0x1;
	p0 =	seq.s32 s7, s2  }
0x1e: {  	s7 =	smul.u32 @!p0 $0xF7A, s2;
	p2 =	seq.s32 @!p0 s5, $0x0  }
0x1f: {  	s9 =	smul.u32 $0xF7A, s1;
	s8 =	simm.s32 @!p0 $0x1BF5;
	p2 =	por !p2, p0  }
0x20: {  	[sflag:s8] =	ssyncset.s32 @!p0 $0xFFFFF086;
	s6 =	sadd.s32 @!p0 s3, s7;
	s7 =	simm.s32 @!p0 $0x108  }
0x21: {  	s3 =	sadd.s32 s3, s9;
	s6 =	sadd.s32 @!p0 $0x88, s6;
	s7 =	simm.s32 @p2 $0x1082  }
0x22: {  	[simem:s7], [sflag:s8] =	dma.local @!p0 [hbm:s6], $0xF7A  }
0x23: {  	s9 =	sor.u32 $0xD0000000, s2;
	s6 =	simm.s32 $0x108;
	_ =	swait.ge @!p0 [sflag:s8], $0x0  }
0x24: {  	s3 =	sadd.s32 $0x88, s3;
	s6 =	simm.s32 @!p1 $0x1082;
	[sflag:s4] =	ssyncset.s32 $0xFFFFF086  }
0x25: {  	[simem:s6], [sflag:s4] =	dma.local [hbm:s3], $0xF7A  }
0x26: {  	[smem:$0x3FA0] =	sst s1;
	(tag) =	ssettag s2;
	_ =	strace s9  }
0x27: {  	s1 =	sld [smem:$0x3FB0]  }
0x28: {  	s2 =	sld [smem:$0x3FB1]  }
0x29: {  	s4 =	sld [smem:$0x3FB3]  }
0x2a: {  	p0 =	seq.s32 s5, $0x0;
	s5 =	sld [smem:$0x3FB4]  }
0x2b: {  	s6 =	sld [smem:$0x3FB5]  }
0x2c: {  	s7 =	sld [smem:$0x3FB6]  }
0x2d: {  	s3 =	simm.s32 $0x108;
	s8 =	sld [smem:$0x3FB7]  }
0x2e: {  	s3 =	simm.s32 @!p0 $0x1082;
	s9 =	sld [smem:$0x3FB8]  }
0x2f: {  	lr =	sadd.s32 s0, s3;
	s0 =	sld [smem:$0x3FAF]  }
0x30: {  	s3 =	sld [smem:$0x3FB2]  }
0x31: {  	[smem:$0x3FBB] =	sst s10  }
0x32: {  	s10 =	sld [smem:$0x3FB9];
	_ =	sdelay $0x3  }
0x33: {  	p0 =	seq.s32 s10, $0x1;
	s10 =	sld [smem:$0x3FBB];
	_ =	sdelay $0x3  }
0x34: {  	[smem:$0x3FBB] =	sst s10  }
0x35: {  	s10 =	sld [smem:$0x3FBA];
	_ =	sdelay $0x3  }
0x36: {  	p1 =	seq.s32 s10, $0x1;
	s10 =	sld [smem:$0x3FBB];
	_ =	sdelay $0x3  }
0x37: {  	[smem:$0x3FBB] =	sst s10  }
0x38: {  	s10 =	sld [smem:$0x3FBC]  }
0x39: {  	_ = 	snop;
	(pc) =	sbr.ind lr, $3  }
0x3a: {  	_ = 	snop  }
0x3b: {  	_ = 	snop  }
0x3c: {  	p2 =	seq.s32 s10, $0x1;
	s10 =	sld [smem:$0x3FBB]  }
0x3d: {  	_ =	shalt  }
0x3e: {  	_ =	shalt  }
0x3f: {  	_ =	shalt  }
0x40: {  	_ =	shalt  }
0x41: {  	_ =	shalt  }
0x42: {  	_ =	shalt  }
0x43: {  	_ =	shalt  }
0x44: {  	_ =	shalt  }
0x45: {  	_ =	shalt  }
0x46: {  	_ =	shalt  }
0x47: {  	_ =	shalt  }
0x48: {  	_ =	shalt  }
0x49: {  	_ =	shalt  }
0x4a: {  	_ =	shalt  }
0x4b: {  	_ =	shalt  }
0x4c: {  	_ =	shalt  }
0x4d: {  	_ =	shalt  }
0x4e: {  	_ =	shalt  }
0x4f: {  	_ =	shalt  }
0x50: {  	_ =	shalt  }
0x51: {  	_ =	shalt  }
0x52: {  	_ =	shalt  }
0x53: {  	_ =	shalt  }
0x54: {  	_ =	shalt  }
0x55: {  	_ =	shalt  }
0x56: {  	_ =	shalt  }
0x57: {  	_ =	shalt  }
0x58: {  	_ =	shalt  }
0x59: {  	_ =	shalt  }
0x5a: {  	_ =	shalt  }
0x5b: {  	_ =	shalt  }
0x5c: {  	_ =	shalt  }
0x5d: {  	_ =	shalt  }
0x5e: {  	_ =	shalt  }
0x5f: {  	_ =	shalt  }
0x60: {  	_ =	shalt  }
0x61: {  	_ =	shalt  }
0x62: {  	_ =	shalt  }
0x63: {  	_ =	shalt  }
0x64: {  	_ =	shalt  }
0x65: {  	_ =	shalt  }
0x66: {  	_ =	shalt  }
0x67: {  	_ =	shalt  }
0x68: {  	_ =	shalt  }
0x69: {  	_ =	shalt  }
0x6a: {  	_ =	shalt  }
0x6b: {  	_ =	shalt  }
0x6c: {  	_ =	shalt  }
0x6d: {  	_ =	shalt  }
0x6e: {  	_ =	shalt  }
0x6f: {  	_ =	shalt  }
0x70: {  	_ =	shalt  }
0x71: {  	_ =	shalt  }
0x72: {  	_ =	shalt  }
0x73: {  	_ =	shalt  }
0x74: {  	_ =	shalt  }
0x75: {  	_ =	shalt  }
0x76: {  	_ =	shalt  }
0x77: {  	_ =	shalt  }
0x78: {  	_ =	shalt  }
0x79: {  	_ =	shalt  }
0x7a: {  	_ =	shalt  }
0x7b: {  	_ =	shalt  }
0x7c: {  	_ =	shalt  }
0x7d: {  	_ =	shalt  }
0x7e: {  	_ =	shalt  }
0x7f: {  	_ =	shalt  }
0x80: {  	_ =	shalt  }
0x81: {  	_ =	shalt  }
0x82: {  	_ =	shalt  }
0x83: {  	_ =	shalt  }
0x84: {  	_ =	shalt  }
0x85: {  	_ =	shalt  }
0x86: {  	_ =	shalt  }
0x87: {  	_ =	shalt  }
.Lfunc_end0:
.L_simem_size_0:
called_computation_lowered:
.L_overlay_start_0:
0x88: {  	s2 =	sld [smem:$0x3FD9]  }
0x89: {  	s3 =	sld [smem:$0x3FFE];
	_ =	sdelay $0x1  }
0x8a: {  	s1 =	srdreg.scid  }
0x8b: {  	s0 =	sand.u32 $0x1, s1  }
0x8c: {  	s15 =	sshll.u32 s0, $0xA;
	s2 =	sadd.s32 s3, s2  }
0x8d: {  	s2 =	sadd.s32 s2, s15  }
0x8e: {  	[smem:$0x3FC7] =	sst s2  }
0x8f: {  	_ = 	snop  }
0x90: {  	s2 =	sld [smem:$0x3FD0];
	_ =	sdelay $0x2  }
0x91: {  	s4 =	simm.s32 $0xA;
	s5 =	simm.s32 $0x10;
	s16 =	sld [smem:$0x3FC9]  }
0x92: {  	[smem:s5], [sflag:s4] =	dma.local [hbm:s2], $0x1  }
0x93: {  	_ =	swait.eq [sflag:s4], $0x1  }
0x94: {  	s17 =	sld [smem:$0x10];
	[sflag:s4] =	ssyncset.done $0x0  }
0x95: {  	s18 =	sld [smem:$0x11];
	[sflag:s4] =	ssyncadd.s32 $0xFFFFFFFF  }
0x96: {  	s19 =	sld [smem:$0x12];
	(tm) =	ssettm $0x1  }
0x97: {  	s6 =	sld [smem:$0x3FFB];
	_ =	sdelay $0x3  }
0x98: {  	_ =	strace s6  }
0x99: {  	s6 =	sld [smem:$0x3FFC];
	_ =	sdelay $0x3  }
0x9a: {  	_ =	strace s6  }
0x9b: {  	s6 =	sld [smem:$0x3FFD];
	_ =	sdelay $0x3  }
0x9c: {  	_ =	strace s6  }
0x9d: {  	_ =	strace $0x8FFFFFFF  }
0x9e: {  	s20 =	sld [smem:$0x3FDB];
	_ =	sdelay $0x1  }
0x9f: {  	s7 =	simm.s32 $_scs_section_size  }
0xa0: {  	s8 =	simm.s32 $_size__tile_overlayer_lowered;
	s9 =	simm.s32 $_tile_overlayer_lowered  }
0xa1: {  	s23 =	simm.s32 $0x1BFF;
	s22 =	sshll.u32 s9, $0x1;
	s6 =	sadd.s32 s7, s20  }
0xa2: {  	s10 =	simm.s32 $0x0;
	s21 =	sshll.u32 s8, $0x1;
	s8 =	sadd.s32 s22, s6  }
0xa3: {  	[timem:s10], [sflag:s23] =	dma.local [hbm:s8], s21  }
0xa4: {  	_ =	swait.ge [sflag:s23], s21  }
0xa5: {  	s7 =	ssub.s32 $0x0, s21;
	[sflag:s23] =	ssyncset.done $0x0  }
0xa6: {  	[sflag:s23] =	ssyncadd.s32 s7;
	_ =	sdelay $0x1  }
0xa7: {  	s24 =	simm.s32 $0x1B8B  }
0xa8: {  	_ =	swait.ge [sflag:s24], $0x1  }
0xa9: {  	[sflag:s24] =	ssyncset.done $0x0  }
0xaa: {  	s25 =	simm.s32 $0x1B8E;
	[sflag:s24] =	ssyncadd.s32 $0xFFFFFFFF  }
0xab: {  	s26 =	simm.s32 $execute0_lowered;
	[smem:$0x3FD2] =	sst s25  }
0xac: {  	s7 =	sshll.u32 s26, $0x1;
	_ =	strace $0x80000046;
	[dreg:$0x1] =	wrdreg $0xFFFFFFFF  }
0xad: {  	s28 =	simm.s32 $_size_execute0_lowered;
	s6 =	sadd.s32 s6, s7;
	[dreg:$0x0] =	wrdreg $0x0  }
0xae: {  	s7 =	sshll.u32 s28, $0x1;
	[dreg:$0x2] =	wrdreg s6  }
0xaf: {  	[dreg:$0x3] =	wrdreg s7  }
0xb0: {  	[dreg:$0x4] =	wrdreg $0xC0  }
0xb1: {  	_ =	task [dreg:s10], $0x5FFFF  }
0xb2: {  	[dreg:$0x1] =	wrdreg $0xFFFFFFFF  }
0xb3: {  	[dreg:$0x0] =	wrdreg $0x60  }
0xb4: {  	[dreg:$0x2] =	wrdreg s16  }
0xb5: {  	[dreg:$0x3] =	wrdreg s17  }
0xb6: {  	[dreg:$0x4] =	wrdreg s18  }
0xb7: {  	[dreg:$0x5] =	wrdreg s19  }
0xb8: {  	[dreg:$0x6] =	wrdreg $0x32000  }
0xb9: {  	[dreg:$0x7] =	wrdreg $0x9  }
0xba: {  	_ =	task.clear_ibuf [dreg:s10], $0x8FFFF;
	_ =	strace $0x90000046  }
0xbb: {  	s29 =	simm.s32 $0x9;
	_ =	strace $0x80000048  }
0xbc: {  	_ =	swait.ge [sflag:s29], $0x1  }
0xbd: {  	[sflag:s29] =	ssyncadd.s32 $0xFFFFFFFF  }
0xbe: {  	_ =	strace $0x90000048  }
0xbf: {  	_ =	sfence  }
0xc0: {  	s30 =	sld [smem:$0x0];
	_ =	sdelay $0x2  }
0xc1: {  	s31 =	sshll.u32 s1, $0xD;
	s1 =	sshrl.u32 s1, $0x2  }
0xc2: {  	s3 =	sand.u32 $0x4000, s31;
	s1 =	sadd.s32 s1, s30  }
0xc3: {  	s0 =	sor.u32 s3, s0;
	s1 =	sshll.u32 s1, $0x11  }
0xc4: {  	s0 =	sor.u32 s1, s0  }
0xc5: {  	s0 =	sadd.s32 $0x8F2B, s0  }
0xc6: {  	[sflag:s0] =	ssyncadd.remote.s32 $0x1  }
0xc7: {  	_ =	sfence.sel $0xFFFF  }
0xc8: {  	[dreg:$0x0] =	wrdreg $0xFFFFFFFF;
	(pc) =	sbr.abs _section_cstart, $3  }
0xc9: {  	[dreg:$0x1] =	wrdreg $0xFFFFFFFF  }
0xca: {  	_ =	task.clear_ibuf [dreg:s10], $0x2FFFF;
	_ =	strace $0x9FFFFFFF  }
0xcb: {  	(tm) =	ssettm $0x7FFFFFFF  }
tec
execute0_lowered:
.L_overlay_start_1:
0x0: {  	(tag) =	ssettag $0x1  }
0x1: {  	s4 =	rddreg [dreg:$0x0]  }
0x2: {  	s6 =	rddreg [dreg:$0x1]  }
0x3: {  	s7 =	rddreg [dreg:$0x2]  }
0x4: {  	s8 =	rddreg [dreg:$0x3]  }
0x5: {  	s1 =	rddreg [dreg:$0x4]  }
0x6: {  	s0 =	rddreg [dreg:$0x5];
	s3 =	srdreg.scid  }
0x7: {  	s13 =	stileid.u32;
	s2 =	simm.s32 $0x0;
	s15 =	simm.s32 $0x0  }
0x8: {  	s9 =	sand.u32 $0x1, s3;
	s3 =	smul.u32 $0x3138, s13;
	[smem:$0x7FF] =	sst s2  }
0x9: {  	s14 =	sshll.u32 s13, $0x4;
	p0 =	sne.s32 s13, $0x0;
	s5 =	smul.u32 $0x31380, s9  }
0xa: {  	_ =	strace $0x80000047;
	s10 =	ssub.s32 $0x2, s9;
	s11 =	sshll.u32 s9, $0x4  }
0xb: {  	s9 =	sshll.u32 s9, $0x1;
	s12 =	sshrl.u32 s10, $0x1;
	s11 =	sor.u32 s13, s11  }
0xc: {  	s8 =	sadd.s32 s8, s9;
	s13 =	simm.s32 $0x3310;
	s5 =	sadd.s32 s3, s5  }
0xd: {  	s11 =	smul.u32 $0x18, s11;
	s10 =	ssub.s32 s10, s12;
	s12 =	simm.s32 $0x3210  }
0xe: {  	s5 =	sshrl.u32 s5, $0x3;
	s9 =	smax.u32 s10, $0x1;
	s10 =	simm.s32 $0x1  }
0xf: {  	s4 =	sadd.s32 s4, s5;
	s5 =	sadd.s32 s14, s1;
	s6 =	sadd.s32 s6, s11  }
0x10: {  	v0 =	vimm.f32 $0.0e+00;
	v1 =	vimm.f32 $-Inf;
	v2 =	vimm.s32 $0x0;
	s7 =	sadd.s32 s7, s11;
	s11 =	simm.s32 $0x3180;
	s14 =	simm.s32 $0x3410  }
.LBB2_1:
0x11: {  	[tilespmem:$0x3130] =	vst v0  }
0x12: {  	[tilespmem:s2], [sflag:$0x1] =	stream.linear.gather [hbm4b:s4+s2], $0x3138, $0x38;
	[tilespmem:$0x3590] =	vst v63  }
0x13: {  	_ =	swait.ge [sflag:s10], $0x3138  }
0x14: {  	s17 =	simm.f32 $-1.000000000e+00;
	[sflag:s10] =	ssyncset.done $0x0  }
0x15: {  	s19 =	simm.f32 $1.000000000e+00;
	s18 =	simm.s32 $0x0;
	[sflag:s10] =	ssyncadd.s32 $0xFFFFCEC8  }
.LBB2_2:
0x16: {  	s16 =	sadd.f32 s19, s17;
	_ =	sdelay $0x1  }
0x17: {  	s21 =	simm.s32 $0x0;
	s16 =	smul.f32 $5.000000000e-01, s16  }
0x18: {  	v5 =	vld [tilespmem:s21+$0x0]  }
0x19: {  	v3 =	vimm.f32 $0.0e+00;
	s20 =	simm.s32 $0x40;
	v4 =	vmov s16  }
.LBB2_3:
0x1a: {  	p1 =	sne.s32 s20, $0xC4C0  }
.Ltmp0:
0x1b: {  	_ = 	snop;
	(pc) =	sbr.rel @p1 .LBB2_3-.Ltmp0, $4  }
0x1c: {  	_ = 	snop  }
0x1d: {  	s21 =	sshra.s32 s20, $0x2;
	s20 =	sadd.s32 $0x40, s20;
	vm0 =	vgt.f32 v5, v4  }
0x1e: {  	v5 =	vld [tilespmem:s21+$0x0];
	v6 =	vsel vm0, $0x3F800000, v0  }
0x1f: {  	v3 =	vadd.f32 v6, v3  }
0x20: {  	_ =	sdelay $0x2  }
0x21: {  	vm0 =	vgt.f32 v5, v4  }
0x22: {  	v4 =	vsel vm0, $0x3F800000, v0  }
0x23: {  	v3 =	vadd.f32 v4, v3;
	_ =	sdelay $0x1  }
0x24: {  	(xrf2) =	vadd.scan.msk.f32 $0xffff, v3;
	_ =	sdelay $0x9  }
0x25: {  	v3, _, _ =	vpop (xrf2)  }
0x26: {  	v3 =	vbroadcast v3, $0xF;
	_ =	sdelay $0x1  }
0x27: {  	[tilespmem:$0x3180] =	vst v3  }
0x28: {  	[spmem:s5] =	stream.linear.scatter [tilespmem:s11], [sflag:$0x1], $0x10, $0x38;
	[tilespmem:$0x3590] =	vst v63  }
0x29: {  	_ =	swait.ge [sflag:s10], $0x10  }
0x2a: {  	[sflag:s10] =	ssyncset.done $0x0  }
0x2b: {  	[sflag:s10] =	ssyncadd.s32 $0xFFFFFFF0  }
0x2c: {  	[bflag:$0x0] =	sbarrier.arrive $0xFFFF  }
0x2d: {  	[tilespmem:s12], [sflag:$0x1] =	stream.linear.gather [spmem:s1], $0x100, $0x38;
	[tilespmem:$0x3590] =	vst v63  }
0x2e: {  	_ =	swait.ge [sflag:s10], $0x100  }
0x2f: {  	[sflag:s10] =	ssyncset.done $0x0  }
0x30: {  	[sflag:s10] =	ssyncadd.s32 $0xFFFFFF00  }
0x31: {  	v3 =	vld [tilespmem:$0x3210];
	_ =	sdelay $0x1  }
0x32: {  	v50 =	vld [tilespmem:$0x3220];
	_ =	sdelay $0x1  }
0x33: {  	v51 =	vld [tilespmem:$0x3230]  }
0x34: {  	v3 =	vadd.f32 $0.0e+00, v3  }
0x35: {  	v6 =	vld [tilespmem:$0x3240]  }
0x36: {  	v3 =	vadd.f32 v50, v3  }
0x37: {  	v52 =	vld [tilespmem:$0x3250]  }
0x38: {  	v3 =	vadd.f32 v51, v3  }
0x39: {  	v53 =	vld [tilespmem:$0x3260]  }
0x3a: {  	v3 =	vadd.f32 v6, v3  }
0x3b: {  	v54 =	vld [tilespmem:$0x3270]  }
0x3c: {  	v3 =	vadd.f32 v52, v3  }
0x3d: {  	v55 =	vld [tilespmem:$0x3280]  }
0x3e: {  	v3 =	vadd.f32 v53, v3  }
0x3f: {  	v56 =	vld [tilespmem:$0x3290]  }
0x40: {  	v3 =	vadd.f32 v54, v3  }
0x41: {  	v57 =	vld [tilespmem:$0x32A0]  }
0x42: {  	v3 =	vadd.f32 v55, v3  }
0x43: {  	v58 =	vld [tilespmem:$0x32B0]  }
0x44: {  	v3 =	vadd.f32 v56, v3  }
0x45: {  	v59 =	vld [tilespmem:$0x32C0]  }
0x46: {  	v3 =	vadd.f32 v57, v3  }
0x47: {  	v60 =	vld [tilespmem:$0x32D0]  }
0x48: {  	v3 =	vadd.f32 v58, v3  }
0x49: {  	v61 =	vld [tilespmem:$0x32E0]  }
0x4a: {  	v3 =	vadd.f32 v59, v3  }
0x4b: {  	v62 =	vld [tilespmem:$0x32F0]  }
0x4c: {  	v3 =	vadd.f32 v60, v3  }
0x4d: {  	v63 =	vld [tilespmem:$0x3300]  }
0x4e: {  	v3 =	vadd.f32 v61, v3;
	_ =	sdelay $0x1  }
0x4f: {  	v3 =	vadd.f32 v62, v3;
	_ =	sdelay $0x1  }
0x50: {  	v3 =	vadd.f32 v63, v3;
	_ =	sdelay $0x1  }
0x51: {  	(xrf0) =	vmax.scan.msk.f32 $0xffff, v3;
	_ =	sdelay $0x5  }
0x52: {  	v3, _, _ =	vpop (xrf0)  }
0x53: {  	(v2sf) =	vpush v3, $0xF;
	_ =	sdelay $0xe  }
0x54: {  	s20 =	spop (v2sf)  }
0x55: {  	p1 =	sge.f32 s20, $2.000000000e+03  }
0x56: {  	s18 =	sadd.s32 $0x1, s18  }
0x57: {  	s17 =	smov.u32 @p1 s16;
	s16 =	smov.u32 @p1 s19;
	p1 =	sne.s32 s18, $0x24  }
.Ltmp1:
0x58: {  	_ = 	snop;
	(pc) =	sbr.rel @p1 .LBB2_2-.Ltmp1, $3  }
0x59: {  	_ =	sdelay $0x1  }
0x5a: {  	[bflag:$0x0] =	sbarrier.arrive $0xFFFF  }
0x5b: {  	s19 =	smov.u32 s16  }
0x5c: {  	[tilespmem:$0x3310] =	vst v1  }
0x5d: {  	[tilespmem:$0x3410] =	vst v2  }
0x5e: {  	[tilespmem:$0x3320] =	vst v1  }
0x5f: {  	[tilespmem:$0x3420] =	vst v2  }
0x60: {  	[tilespmem:$0x3330] =	vst v1  }
0x61: {  	[tilespmem:$0x3430] =	vst v2  }
0x62: {  	[tilespmem:$0x3340] =	vst v1  }
0x63: {  	[tilespmem:$0x3440] =	vst v2  }
0x64: {  	[tilespmem:$0x3350] =	vst v1  }
0x65: {  	[tilespmem:$0x3450] =	vst v2  }
0x66: {  	[tilespmem:$0x3360] =	vst v1  }
0x67: {  	[tilespmem:$0x3460] =	vst v2  }
0x68: {  	[tilespmem:$0x3370] =	vst v1  }
0x69: {  	[tilespmem:$0x3470] =	vst v2  }
0x6a: {  	[tilespmem:$0x3380] =	vst v1  }
0x6b: {  	[tilespmem:$0x3480] =	vst v2  }
0x6c: {  	[tilespmem:$0x3390] =	vst v1  }
0x6d: {  	[tilespmem:$0x3490] =	vst v2  }
0x6e: {  	[tilespmem:$0x33A0] =	vst v1  }
0x6f: {  	[tilespmem:$0x34A0] =	vst v2  }
0x70: {  	[tilespmem:$0x33B0] =	vst v1  }
0x71: {  	[tilespmem:$0x34B0] =	vst v2  }
0x72: {  	[tilespmem:$0x33C0] =	vst v1  }
0x73: {  	[tilespmem:$0x34C0] =	vst v2;
	s17 =	simm.s32 $0x0  }
0x74: {  	v4 =	vld [tilespmem:s17+$0x0];
	_ =	sdelay $0x3  }
0x75: {  	v3 =	vmov s16  }
0x76: {  	vm0 =	vge.f32 v4, v3  }
0x77: {  	v5 =	vmpcnt.ones.xlane vm0;
	_ =	sdelay $0x1  }
0x78: {  	v5 =	vxor.u32 $0x80000000, v5  }
0x79: {  	(xrf0) =	vmax.scan.msk.u32 $0xffff, v5;
	_ =	sdelay $0x5  }
0x7a: {  	v5, _, _ =	vpop (xrf0)  }
0x7b: {  	(v2sf) =	vpush v5, $0xF;
	_ =	sdelay $0xe  }
0x7c: {  	s31 =	spop (v2sf)  }
0x7d: {  	p1 =	por $0x0, $0x0;
	s16 =	sxor.u32 $0x80000000, s31  }
0x7e: {  	p2 =	slt.s32 @!p1 s16, $0x1  }
0x7f: {  	p2 =	por p2, p1  }
0x80: {  	s18 =	simm.s32 $0x0;
	s20 =	simm.s32 $0x40;
	vm0 =	vge.f32 @!p2 v4, v3;
	v5 =	vlaneseq.u32 @!p2  }
0x81: {  	s19 =	simm.s32 $0x80;
	s17 =	smov.u32 s3;
	s16 =	sadd.s32 $0x0, s16;
	[tilespmem:s18+$0x3310] =	vst.msk @!p2 vm0, v4;
	v4 =	vadd.s32 @!p2 s3, v5  }
.LBB2_6:
0x82: {  	s21 =	sshra.s32 s20, $0x2;
	s17 =	sadd.s32 $0x10, s17  }
0x83: {  	[tilespmem:s18+$0x3410] =	vst.msk @!p2 vm0, v4;
	s20 =	smov.u32 s19;
	s19 =	sadd.s32 $0x40, s19;
	s18 =	smov.u32 s16  }
0x84: {  	p1 =	sne.s32 s19, $0xC500;
	v4 =	vld [tilespmem:s21+$0x0];
	_ =	sdelay $0x4  }
0x85: {  	vm0 =	vge.f32 v4, v3  }
0x86: {  	v5 =	vmpcnt.ones.xlane vm0;
	_ =	sdelay $0x1  }
0x87: {  	v5 =	vxor.u32 $0x80000000, v5  }
0x88: {  	(xrf0) =	vmax.scan.msk.u32 $0xffff, v5;
	_ =	sdelay $0x5  }
0x89: {  	v5, _, _ =	vpop (xrf0)  }
0x8a: {  	(v2sf) =	vpush v5, $0xF;
	_ =	sdelay $0xe  }
0x8b: {  	s21 =	spop (v2sf)  }
.Ltmp2:
0x8c: {  	p2 =	sgt.s32 s16, $0xB0;
	s21 =	sxor.u32 $0x80000000, s21;
	(pc) =	sbr.rel @p1 .LBB2_6-.Ltmp2, $4  }
0x8d: {  	p3 =	slt.s32 @!p2 s21, $0x1;
	s16 =	sadd.s32 s16, s21  }
0x8e: {  	p2 =	por p3, p2  }
0x8f: {  	vm0 =	vge.f32 @!p2 v4, v3;
	v5 =	vlaneseq.u32 @!p2  }
0x90: {  	[tilespmem:s18+$0x3310] =	vst.msk @!p2 vm0, v4;
	v4 =	vadd.s32 @!p2 s17, v5  }
0x91: {  	s19 =	sshra.s32 s20, $0x2;
	[tilespmem:s18+$0x3410] =	vst.msk @!p2 vm0, v4  }
0x92: {  	v4 =	vld [tilespmem:s19+$0x0];
	_ =	sdelay $0x4  }
0x93: {  	vm15 =	vge.f32 v4, v3  }
0x94: {  	v5 =	vmpcnt.ones.xlane vm15;
	_ =	sdelay $0x1  }
0x95: {  	v5 =	vxor.u32 $0x80000000, v5  }
0x96: {  	(xrf0) =	vmax.scan.msk.u32 $0xffff, v5;
	_ =	sdelay $0x5  }
0x97: {  	v5, _, _ =	vpop (xrf0)  }
0x98: {  	(v2sf) =	vpush v5, $0xF;
	_ =	sdelay $0xe  }
0x99: {  	s31 =	spop (v2sf)  }
0x9a: {  	p1 =	sgt.s32 s16, $0xB0;
	s18 =	sxor.u32 $0x80000000, s31  }
0x9b: {  	p2 =	slt.s32 @!p1 s18, $0x1  }
0x9c: {  	p1 =	por p2, p1  }
0x9d: {  	s17 =	sadd.s32 $0x10, s17;
	vm0 =	vge.f32 @!p1 v4, v3;
	v5 =	vlaneseq.u32 @!p1  }
0x9e: {  	[tilespmem:s16+$0x3310] =	vst.msk @!p1 vm0, v4;
	v4 =	vadd.s32 @!p1 s17, v5  }
0x9f: {  	[tilespmem:s16+$0x3410] =	vst.msk @!p1 vm0, v4  }
0xa0: {  	[hbm4b:s6+s2] =	stream.linear.scatter [tilespmem:s13], [sflag:$0x1], $0xC0, $0x38;
	[tilespmem:$0x3590] =	vst v63  }
0xa1: {  	_ =	swait.ge [sflag:s10], $0xC0  }
0xa2: {  	[sflag:s10] =	ssyncset.done $0x0  }
0xa3: {  	[sflag:s10] =	ssyncadd.s32 $0xFFFFFF40  }
0xa4: {  	[hbm4b:s7+s2] =	stream.linear.scatter [tilespmem:s14], [sflag:$0x1], $0xC0, $0x38;
	[tilespmem:$0x3590] =	vst v63  }
0xa5: {  	_ =	swait.ge [sflag:s10], $0xC0  }
0xa6: {  	[sflag:s10] =	ssyncset.done $0x0  }
0xa7: {  	s15 =	sadd.s32 $0x1, s15;
	[sflag:s10] =	ssyncadd.s32 $0xFFFFFF40  }
0xa8: {  	s17 =	simm.s32 @!p0 $0x3510;
	s16 =	simm.s32 @!p0 $0x0;
	p1 =	sne.s32 s15, s9;
	[tilespmem:$0x3510] =	vst @!p0 v3  }
0xa9: {  	[hbm4b:s8+s16] =	stream.linear.scatter @!p0 [tilespmem:s17], [sflag:$0x1], $0x10, $0x38;
	[tilespmem:$0x3590] =	vst v63  }
.Ltmp3:
0xaa: {  	_ = 	snop;
	(pc) =	sbr.rel @p1 .LBB2_1-.Ltmp3, $4  }
0xab: {  	s16 =	simm.s32 @!p0 $0x1  }
0xac: {  	_ =	swait.ge @!p0 [sflag:s16], $0x10  }
0xad: {  	[sflag:s16] =	ssyncset.done @!p0 $0x0  }
0xae: {  	[sflag:s16] =	ssyncadd.s32 @!p0 $0xFFFFFFF0  }
0xaf: {  	_ =	sfence.sel $0x180000  }
0xb0: {  	[bflag:$0x0] =	sbarrier.arrive $0xFFFF  }
0xb1: {  	_ =	strace $0x90000047  }
0xb2: {  	s0 =	sadd.s32 @!p0 $0x100000, s0;
	[bflag:$0x2] =	sbarrier.arrive $0xFFFF  }
0xb3: {  	[sflag:s0] =	ssyncadd.tile.s32 @!p0 $0x1;
	_ =	shalt  }
.Lfunc_end2:
_tile_overlayer_lowered:
.L_overlay_start_2:
0xb4: {  	(tag) =	ssettag $0x2  }
0xb5: {  	s0 =	rddreg [dreg:$0x0];
	s2 =	stileid.u32  }
0xb6: {  	s1 =	rddreg [dreg:$0x1];
	p0 =	sne.s32 s2, $0x0  }
0xb7: {  	s3 =	rddreg [dreg:$0x2];
	[bflag:$0x3] =	sbarrier.arrive $0xFFFF;
	s2 =	simm.s32 @!p0 $0x1C01  }
0xb8: {  	[timem:s3], [sflag:s2] =	dma.local @!p0 [hbm:s0], s1  }
0xb9: {  	s0 =	simm.s32 @!p0 $0x1  }
0xba: {  	_ =	swait.ge @!p0 [sflag:s0], s1  }
0xbb: {  	s1 =	ssub.s32 @!p0 $0x0, s1;
	[sflag:s0] =	ssyncset.done @!p0 $0x0  }
0xbc: {  	[sflag:s0] =	ssyncadd.s32 @!p0 s1  }
0xbd: {  	[bflag:$0x3] =	sbarrier.arrive $0xFFFF  }
0xbe: {  	_ =	shalt  }

</sc_bundles>
